<compile_context>
chip_gen: v7x
topology: tpu7x:2x2x1
jax: 0.10.2.dev20260603
libtpu: 0.0.44.dev20260713+nightly
codegen_flags: <defaults>
</compile_context>

<pallas_src>
import functools

import jax
import jax.numpy as jnp
from jax.experimental import pallas as pl
from jax.experimental.pallas import tpu as pltpu

_H, _W = 496, 432
_PT = 160


def _pfn_kernel(ft_ref, w_ref, xmax_ref, xmin_ref, s_ref, s2_ref):
    j = pl.program_id(1)
    ftb = ft_ref[0]
    a2 = ftb.reshape(9, _PT * 100)
    x = jnp.dot(w_ref[:, :], a2, preferred_element_type=jnp.float32)
    x3 = x.reshape(64, _PT, 100)
    xmax_ref[0, 0] = jnp.max(x3, axis=2)
    xmin_ref[0, 0] = jnp.min(x3, axis=2)
    ps = jnp.sum(x, axis=1).reshape(1, 64)
    ps2 = jnp.sum(x * x, axis=1).reshape(1, 64)

    @pl.when(j == 0)
    def _init():
        s_ref[0] = ps
        s2_ref[0] = ps2

    @pl.when(j != 0)
    def _acc():
        s_ref[0] += ps
        s2_ref[0] += ps2


def _affine_kernel(xmax_ref, xmin_ref, a_ref, b_ref, pf_ref):
    a = a_ref[0, :, :]
    b = b_ref[0, :, :]
    xm = xmax_ref[:, 0, :]
    xn = xmin_ref[:, 0, :]
    sel = jnp.where(a >= 0.0, xm, xn)
    pf_ref[:, 0, :] = jnp.maximum(sel * a + b, 0.0)


def _scatter_kernel(ys_ref, xs_ref, pf_ref, io_ref, out_ref):
    del ys_ref, xs_ref, io_ref
    out_ref[0, 0, 0, :] = pf_ref[0, 0, :]


@jax.jit
def kernel(feats, coords, W, gamma, beta):
    B, P, N, K = feats.shape
    C = W.shape[0]
    nj = P // _PT

    ft = feats.transpose(0, 3, 1, 2)
    xmax_t, xmin_t, s, s2 = pl.pallas_call(
        _pfn_kernel,
        grid=(B, nj),
        in_specs=[
            pl.BlockSpec((1, K, _PT, N), lambda b, j: (b, 0, j, 0)),
            pl.BlockSpec((C, K), lambda b, j: (0, 0)),
        ],
        out_specs=[
            pl.BlockSpec((1, 1, C, _PT), lambda b, j: (b, j, 0, 0)),
            pl.BlockSpec((1, 1, C, _PT), lambda b, j: (b, j, 0, 0)),
            pl.BlockSpec((1, 1, C), lambda b, j: (b, 0, 0)),
            pl.BlockSpec((1, 1, C), lambda b, j: (b, 0, 0)),
        ],
        out_shape=[
            jax.ShapeDtypeStruct((B, nj, C, _PT), jnp.float32),
            jax.ShapeDtypeStruct((B, nj, C, _PT), jnp.float32),
            jax.ShapeDtypeStruct((B, 1, C), jnp.float32),
            jax.ShapeDtypeStruct((B, 1, C), jnp.float32),
        ],
        compiler_params=pltpu.CompilerParams(
            dimension_semantics=("arbitrary", "arbitrary")),
    )(ft, W)

    cnt = jnp.float32(P * N)
    mean = s[:, 0, :] / cnt
    var = s2[:, 0, :] / cnt - mean * mean
    a_aff = gamma / jnp.sqrt(var + 1e-3)
    b_aff = beta - mean * a_aff

    a_r = a_aff.reshape(B, 1, C)
    b_r = b_aff.reshape(B, 1, C)
    xmax_r = xmax_t.transpose(0, 1, 3, 2).reshape(B * P, 1, C)
    xmin_r = xmin_t.transpose(0, 1, 3, 2).reshape(B * P, 1, C)
    PR = 800
    npr = P // PR
    pf_r = pl.pallas_call(
        _affine_kernel,
        grid=(B * P // PR,),
        in_specs=[
            pl.BlockSpec((PR, 1, C), lambda i: (i, 0, 0)),
            pl.BlockSpec((PR, 1, C), lambda i: (i, 0, 0)),
            pl.BlockSpec((1, 1, C), lambda i: (i // npr, 0, 0)),
            pl.BlockSpec((1, 1, C), lambda i: (i // npr, 0, 0)),
        ],
        out_specs=pl.BlockSpec((PR, 1, C), lambda i: (i, 0, 0)),
        out_shape=jax.ShapeDtypeStruct((B * P, 1, C), jnp.float32),
    )(xmax_r, xmin_r, a_r, b_r)

    ys = coords[..., 0].reshape(B * P).astype(jnp.int32)
    xs = coords[..., 1].reshape(B * P).astype(jnp.int32)
    canvas0 = jnp.zeros((B, _H * _W, 1, C), jnp.float32)

    canvas = pl.pallas_call(
        _scatter_kernel,
        grid_spec=pltpu.PrefetchScalarGridSpec(
            num_scalar_prefetch=2,
            grid=(B * P,),
            in_specs=[
                pl.BlockSpec((1, 1, C), lambda i, ys, xs: (i, 0, 0)),
                pl.BlockSpec(memory_space=pl.ANY),
            ],
            out_specs=pl.BlockSpec((1, 1, 1, C),
                                   lambda i, ys, xs: (i // P, ys[i] * _W + xs[i], 0, 0)),
        ),
        out_shape=jax.ShapeDtypeStruct((B, _H * _W, 1, C), jnp.float32),
        input_output_aliases={3: 0},
        compiler_params=pltpu.CompilerParams(
            dimension_semantics=("arbitrary",)),
    )(ys, xs, pf_r, canvas0)

    return canvas.reshape(B, _H, _W, C).transpose(0, 3, 1, 2)

# --- scband reference (transcript-rebuilt; emitter-appended) ---
"""Pipeline reference for scband-rpnno-head-base-52398601011656 (READ-ONLY COPY).

The authoritative reference and input builder live on the scoring server;
editing this copy changes nothing except your own understanding.
"""

import jax, jax.numpy as jnp
import numpy as np

OUTPUT_SHAPE = (64, 496, 432)


def setup_inputs(seed: int = 0) -> dict:
    key = jax.random.key(seed)
    k1, k2, k3 = jax.random.split(key, 3)
    feats = jax.random.normal(k1, (2, 12000, 100, 9), dtype=jnp.float32)
    # coords values must index into (496, 432); use max 432 to be in-range for both dims
    coords = jax.random.randint(k2, (2, 12000, 2), 0, 432, dtype=jnp.int32)
    # PFNLayer params: Linear(9 -> 64, bias=False) + BatchNorm1d(64) affine params
    W = jax.random.normal(k3, (64, 9), dtype=jnp.float32) * 0.01
    gamma = jnp.ones((64,), dtype=jnp.float32)
    beta = jnp.zeros((64,), dtype=jnp.float32)
    return {"feats": feats, "coords": coords, "W": W, "gamma": gamma, "beta": beta}


def reference(feats, coords, W, gamma, beta):
    # PFNLayer (last_layer=True): linear -> BatchNorm1d (train-mode batch stats) -> relu -> max over points
    def pfn(feat):  # feat: [P, N, 9]
        x = feat @ W.T  # [P, N, 64]
        # torch BatchNorm1d over [P, C, N] normalizes per-channel across (P, N)
        mean = jnp.mean(x, axis=(0, 1))
        var = jnp.var(x, axis=(0, 1))
        x = (x - mean) / jnp.sqrt(var + 1e-3) * gamma + beta
        x = jax.nn.relu(x)
        return jnp.max(x, axis=1)  # [P, 64]

    def scatter_one(feat, coord):  # feat: [P, 64], coord: [P, 2]
        canvas = jnp.zeros(OUTPUT_SHAPE, dtype=feat.dtype)
        # convas[:, coord[:,0], coord[:,1]] = feat.T  (scatter-overwrite)
        return canvas.at[:, coord[:, 0], coord[:, 1]].set(feat.T)

    pf = jax.vmap(pfn)(feats)            # [B, P, 64]
    out = jax.vmap(scatter_one)(pf, coords)  # [B, 64, 496, 432]
    return out

if __name__ == "__main__":
    import jax
    _d = setup_inputs()
    print(jax.jit(kernel)(*tuple(_d.values())))

</pallas_src>

<mosaic_0001>
module attributes {stable_mosaic.version = 14 : i64} {
  func.func @_pfn_kernel(%arg0: i32, %arg1: i32, %arg2: memref<1x9x160x100xf32, #tpu.memory_space<vmem>>, %arg3: memref<64x9xf32, #tpu.memory_space<vmem>>, %arg4: memref<1x1x64x160xf32, #tpu.memory_space<vmem>>, %arg5: memref<1x1x64x160xf32, #tpu.memory_space<vmem>>, %arg6: memref<1x1x64xf32, #tpu.memory_space<vmem>>, %arg7: memref<1x1x64xf32, #tpu.memory_space<vmem>>) attributes {dimension_semantics = [#tpu.dimension_semantics<arbitrary>, #tpu.dimension_semantics<arbitrary>], iteration_bounds = array<i64: 2, 75>, scalar_prefetch = 0 : i64, scratch_operands = 0 : i64, tpu.core_type = #tpu.core_type<tc>, window_params = [{transform_indices = @transform_0, window_bounds = array<i64: 1, 9, 160, 100>}, {pipeline_mode = #tpu.pipeline_mode<synchronous>, transform_indices = @transform_1, window_bounds = array<i64: 64, 9>}, {transform_indices = @transform_2, window_bounds = array<i64: 1, 1, 64, 160>}, {transform_indices = @transform_3, window_bounds = array<i64: 1, 1, 64, 160>}, {transform_indices = @transform_4, window_bounds = array<i64: 1, 1, 64>}, {transform_indices = @transform_5, window_bounds = array<i64: 1, 1, 64>}]} {
    %get3A = arith.constant 0 : index
    %get3A_0 = arith.constant 0 : index
    %get3A_1 = arith.constant 0 : index
    %get3A_2 = arith.constant 0 : index
    %get3A_3 = vector.load %arg2[%get3A, %get3A_0, %get3A_1, %get3A_2] : memref<1x9x160x100xf32, #tpu.memory_space<vmem>>, vector<1x9x160x100xf32>
    %get3A_4 = vector.shape_cast %get3A_3 : vector<1x9x160x100xf32> to vector<9x160x100xf32>
    %reshape3A = vector.shape_cast %get3A_4 : vector<9x160x100xf32> to vector<9x16000xf32>
    %get3A_5 = arith.constant 0 : index
    %get3A_6 = arith.constant 0 : index
    %get3A_7 = vector.load %arg3[%get3A_5, %get3A_6] : memref<64x9xf32, #tpu.memory_space<vmem>>, vector<64x9xf32>
    %dot_general3A = arith.constant dense<0.000000e+00> : vector<64x16000xf32>
    %dot_general3A_8 = tpu.matmul %get3A_7, %reshape3A, %dot_general3A {dimension_numbers = #tpu.dot_dimension_numbers<[1], [0], [0], [1], [0, 0, 1, 1], [], []>, transpose_lhs_hint = false} : vector<64x9xf32>, vector<9x16000xf32>, vector<64x16000xf32> -> vector<64x16000xf32>
    %reshape3A_9 = vector.shape_cast %dot_general3A_8 : vector<64x16000xf32> to vector<64x160x100xf32>
    %reduce_max3A = arith.constant dense<0xFF800000> : vector<64x160xf32>
    %reduce_max3A_10 = vector.multi_reduction <maximumf>, %reshape3A_9, %reduce_max3A [2] : vector<64x160x100xf32> to vector<64x160xf32>
    %swap3A = arith.constant 0 : index
    %swap3A_11 = arith.constant 0 : index
    %swap3A_12 = arith.constant 0 : index
    %swap3A_13 = arith.constant 0 : index
    %swap3A_14 = vector.load %arg4[%swap3A, %swap3A_11, %swap3A_12, %swap3A_13] : memref<1x1x64x160xf32, #tpu.memory_space<vmem>>, vector<1x1x64x160xf32>
    %swap3A_15 = vector.shape_cast %swap3A_14 : vector<1x1x64x160xf32> to vector<64x160xf32>
    %swap3A_16 = vector.shape_cast %reduce_max3A_10 : vector<64x160xf32> to vector<1x1x64x160xf32>
    tpu.vector_store %arg4[%swap3A, %swap3A_11, %swap3A_12, %swap3A_13], %swap3A_16 {strides = array<i32>} : memref<1x1x64x160xf32, #tpu.memory_space<vmem>>, vector<1x1x64x160xf32>,
    %reduce_min3A = arith.constant dense<0x7F800000> : vector<64x160xf32>
    %reduce_min3A_17 = vector.multi_reduction <minimumf>, %reshape3A_9, %reduce_min3A [2] : vector<64x160x100xf32> to vector<64x160xf32>
    %swap3A_18 = arith.constant 0 : index
    %swap3A_19 = arith.constant 0 : index
    %swap3A_20 = arith.constant 0 : index
    %swap3A_21 = arith.constant 0 : index
    %swap3A_22 = vector.load %arg5[%swap3A_18, %swap3A_19, %swap3A_20, %swap3A_21] : memref<1x1x64x160xf32, #tpu.memory_space<vmem>>, vector<1x1x64x160xf32>
    %swap3A_23 = vector.shape_cast %swap3A_22 : vector<1x1x64x160xf32> to vector<64x160xf32>
    %swap3A_24 = vector.shape_cast %reduce_min3A_17 : vector<64x160xf32> to vector<1x1x64x160xf32>
    tpu.vector_store %arg5[%swap3A_18, %swap3A_19, %swap3A_20, %swap3A_21], %swap3A_24 {strides = array<i32>} : memref<1x1x64x160xf32, #tpu.memory_space<vmem>>, vector<1x1x64x160xf32>,
    %reduce_sum3A = arith.constant dense<0.000000e+00> : vector<64xf32>
    %reduce_sum3A_25 = vector.multi_reduction <add>, %dot_general3A_8, %reduce_sum3A [1] : vector<64x16000xf32> to vector<64xf32>
    %reshape3A_26 = vector.shape_cast %reduce_sum3A_25 : vector<64xf32> to vector<1x64xf32>
    %mul3A = arith.mulf %dot_general3A_8, %dot_general3A_8 : vector<64x16000xf32>
    %reduce_sum3A_27 = arith.constant dense<0.000000e+00> : vector<64xf32>
    %reduce_sum3A_28 = vector.multi_reduction <add>, %mul3A, %reduce_sum3A_27 [1] : vector<64x16000xf32> to vector<64xf32>
    %reshape3A_29 = vector.shape_cast %reduce_sum3A_28 : vector<64xf32> to vector<1x64xf32>
    %eq3A = arith.constant 0 : i32
    %eq3A_30 = arith.cmpi eq, %arg1, %eq3A : i32
    %convert_element_type3A = arith.extui %eq3A_30 : i1 to i32
    %cond3A = arith.constant 0 : i32
    %cond3A_31 = arith.cmpi ne, %convert_element_type3A, %cond3A : i32
    scf.if %cond3A_31 {
      %swap3A_36 = arith.constant 0 : index
      %swap3A_37 = arith.constant 0 : index
      %swap3A_38 = arith.constant 0 : index
      %swap3A_39 = vector.load %arg6[%swap3A_36, %swap3A_37, %swap3A_38] : memref<1x1x64xf32, #tpu.memory_space<vmem>>, vector<1x1x64xf32>
      %swap3A_40 = vector.shape_cast %swap3A_39 : vector<1x1x64xf32> to vector<1x64xf32>
      %swap3A_41 = vector.shape_cast %reshape3A_26 : vector<1x64xf32> to vector<1x1x64xf32>
      tpu.vector_store %arg6[%swap3A_36, %swap3A_37, %swap3A_38], %swap3A_41 {strides = array<i32>} : memref<1x1x64xf32, #tpu.memory_space<vmem>>, vector<1x1x64xf32>,
      %swap3A_42 = arith.constant 0 : index
      %swap3A_43 = arith.constant 0 : index
      %swap3A_44 = arith.constant 0 : index
      %swap3A_45 = vector.load %arg7[%swap3A_42, %swap3A_43, %swap3A_44] : memref<1x1x64xf32, #tpu.memory_space<vmem>>, vector<1x1x64xf32>
      %swap3A_46 = vector.shape_cast %swap3A_45 : vector<1x1x64xf32> to vector<1x64xf32>
      %swap3A_47 = vector.shape_cast %reshape3A_29 : vector<1x64xf32> to vector<1x1x64xf32>
      tpu.vector_store %arg7[%swap3A_42, %swap3A_43, %swap3A_44], %swap3A_47 {strides = array<i32>} : memref<1x1x64xf32, #tpu.memory_space<vmem>>, vector<1x1x64xf32>,
    } else {
    }
    %ne3A = arith.constant 0 : i32
    %ne3A_32 = arith.cmpi ne, %arg1, %ne3A : i32
    %convert_element_type3A_33 = arith.extui %ne3A_32 : i1 to i32
    %cond3A_34 = arith.constant 0 : i32
    %cond3A_35 = arith.cmpi ne, %convert_element_type3A_33, %cond3A_34 : i32
    scf.if %cond3A_35 {
      %get3A_36 = arith.constant 0 : index
      %get3A_37 = arith.constant 0 : index
      %get3A_38 = arith.constant 0 : index
      %get3A_39 = vector.load %arg6[%get3A_36, %get3A_37, %get3A_38] : memref<1x1x64xf32, #tpu.memory_space<vmem>>, vector<1x1x64xf32>
      %get3A_40 = vector.shape_cast %get3A_39 : vector<1x1x64xf32> to vector<1x64xf32>
      %add3A = arith.addf %get3A_40, %reshape3A_26 : vector<1x64xf32>
      %swap3A_41 = arith.constant 0 : index
      %swap3A_42 = arith.constant 0 : index
      %swap3A_43 = arith.constant 0 : index
      %swap3A_44 = vector.load %arg6[%swap3A_41, %swap3A_42, %swap3A_43] : memref<1x1x64xf32, #tpu.memory_space<vmem>>, vector<1x1x64xf32>
      %swap3A_45 = vector.shape_cast %swap3A_44 : vector<1x1x64xf32> to vector<1x64xf32>
      %swap3A_46 = vector.shape_cast %add3A : vector<1x64xf32> to vector<1x1x64xf32>
      tpu.vector_store %arg6[%swap3A_41, %swap3A_42, %swap3A_43], %swap3A_46 {strides = array<i32>} : memref<1x1x64xf32, #tpu.memory_space<vmem>>, vector<1x1x64xf32>,
      %get3A_47 = arith.constant 0 : index
      %get3A_48 = arith.constant 0 : index
      %get3A_49 = arith.constant 0 : index
      %get3A_50 = vector.load %arg7[%get3A_47, %get3A_48, %get3A_49] : memref<1x1x64xf32, #tpu.memory_space<vmem>>, vector<1x1x64xf32>
      %get3A_51 = vector.shape_cast %get3A_50 : vector<1x1x64xf32> to vector<1x64xf32>
      %add3A_52 = arith.addf %get3A_51, %reshape3A_29 : vector<1x64xf32>
      %swap3A_53 = arith.constant 0 : index
      %swap3A_54 = arith.constant 0 : index
      %swap3A_55 = arith.constant 0 : index
      %swap3A_56 = vector.load %arg7[%swap3A_53, %swap3A_54, %swap3A_55] : memref<1x1x64xf32, #tpu.memory_space<vmem>>, vector<1x1x64xf32>
      %swap3A_57 = vector.shape_cast %swap3A_56 : vector<1x1x64xf32> to vector<1x64xf32>
      %swap3A_58 = vector.shape_cast %add3A_52 : vector<1x64xf32> to vector<1x1x64xf32>
      tpu.vector_store %arg7[%swap3A_53, %swap3A_54, %swap3A_55], %swap3A_58 {strides = array<i32>} : memref<1x1x64xf32, #tpu.memory_space<vmem>>, vector<1x1x64xf32>,
    } else {
    }
    return
  }
  func.func @transform_0(%arg0: i32, %arg1: i32) -> (i32, i32, i32, i32) {
    %c0_i32 = arith.constant 0 : i32
    %c0_i32_0 = arith.constant 0 : i32
    %c0_i32_1 = arith.constant 0 : i32
    return %arg0, %c0_i32, %arg1, %c0_i32_0 : i32, i32, i32, i32
  }
  func.func @transform_1(%arg0: i32, %arg1: i32) -> (i32, i32) {
    %c0_i32 = arith.constant 0 : i32
    %c0_i32_0 = arith.constant 0 : i32
    %c0_i32_1 = arith.constant 0 : i32
    return %c0_i32, %c0_i32_0 : i32, i32
  }
  func.func @transform_2(%arg0: i32, %arg1: i32) -> (i32, i32, i32, i32) {
    %c0_i32 = arith.constant 0 : i32
    %c0_i32_0 = arith.constant 0 : i32
    %c0_i32_1 = arith.constant 0 : i32
    return %arg0, %arg1, %c0_i32, %c0_i32_0 : i32, i32, i32, i32
  }
  func.func @transform_3(%arg0: i32, %arg1: i32) -> (i32, i32, i32, i32) {
    %c0_i32 = arith.constant 0 : i32
    %c0_i32_0 = arith.constant 0 : i32
    %c0_i32_1 = arith.constant 0 : i32
    return %arg0, %arg1, %c0_i32, %c0_i32_0 : i32, i32, i32, i32
  }
  func.func @transform_4(%arg0: i32, %arg1: i32) -> (i32, i32, i32) {
    %c0_i32 = arith.constant 0 : i32
    %c0_i32_0 = arith.constant 0 : i32
    %c0_i32_1 = arith.constant 0 : i32
    return %arg0, %c0_i32, %c0_i32_0 : i32, i32, i32
  }
  func.func @transform_5(%arg0: i32, %arg1: i32) -> (i32, i32, i32) {
    %c0_i32 = arith.constant 0 : i32
    %c0_i32_0 = arith.constant 0 : i32
    %c0_i32_1 = arith.constant 0 : i32
    return %arg0, %c0_i32, %c0_i32_0 : i32, i32, i32
  }
}

module attributes {stable_mosaic.version = 14 : i64} {
  func.func @_affine_kernel(%arg0: i32, %arg1: memref<800x1x64xf32, #tpu.memory_space<vmem>>, %arg2: memref<800x1x64xf32, #tpu.memory_space<vmem>>, %arg3: memref<1x1x64xf32, #tpu.memory_space<vmem>>, %arg4: memref<1x1x64xf32, #tpu.memory_space<vmem>>, %arg5: memref<800x1x64xf32, #tpu.memory_space<vmem>>) attributes {dimension_semantics = [#tpu.dimension_semantics<arbitrary>], iteration_bounds = array<i64: 30>, scalar_prefetch = 0 : i64, scratch_operands = 0 : i64, tpu.core_type = #tpu.core_type<tc>, window_params = [{transform_indices = @transform_0, window_bounds = array<i64: 800, 1, 64>}, {transform_indices = @transform_1, window_bounds = array<i64: 800, 1, 64>}, {transform_indices = @transform_2, window_bounds = array<i64: 1, 1, 64>}, {transform_indices = @transform_3, window_bounds = array<i64: 1, 1, 64>}, {transform_indices = @transform_4, window_bounds = array<i64: 800, 1, 64>}]} {
    %get3A = arith.constant 0 : index
    %get3A_0 = arith.constant 0 : index
    %get3A_1 = arith.constant 0 : index
    %get3A_2 = vector.load %arg3[%get3A, %get3A_0, %get3A_1] : memref<1x1x64xf32, #tpu.memory_space<vmem>>, vector<1x1x64xf32>
    %get3A_3 = vector.shape_cast %get3A_2 : vector<1x1x64xf32> to vector<1x64xf32>
    %get3A_4 = arith.constant 0 : index
    %get3A_5 = arith.constant 0 : index
    %get3A_6 = arith.constant 0 : index
    %get3A_7 = vector.load %arg4[%get3A_4, %get3A_5, %get3A_6] : memref<1x1x64xf32, #tpu.memory_space<vmem>>, vector<1x1x64xf32>
    %get3A_8 = vector.shape_cast %get3A_7 : vector<1x1x64xf32> to vector<1x64xf32>
    %get3A_9 = arith.constant 0 : index
    %get3A_10 = arith.constant 0 : index
    %get3A_11 = arith.constant 0 : index
    %get3A_12 = vector.load %arg1[%get3A_9, %get3A_10, %get3A_11] : memref<800x1x64xf32, #tpu.memory_space<vmem>>, vector<800x1x64xf32>
    %get3A_13 = vector.shape_cast %get3A_12 : vector<800x1x64xf32> to vector<800x64xf32>
    %get3A_14 = arith.constant 0 : index
    %get3A_15 = arith.constant 0 : index
    %get3A_16 = arith.constant 0 : index
    %get3A_17 = vector.load %arg2[%get3A_14, %get3A_15, %get3A_16] : memref<800x1x64xf32, #tpu.memory_space<vmem>>, vector<800x1x64xf32>
    %get3A_18 = vector.shape_cast %get3A_17 : vector<800x1x64xf32> to vector<800x64xf32>
    %ge3A = arith.constant 0.000000e+00 : f32
    %ge3A_19 = vector.broadcast %ge3A : f32 to vector<1x64xf32>
    %ge3A_20 = arith.cmpf oge, %get3A_3, %ge3A_19 : vector<1x64xf32>
    %broadcast_in_dim3A = vector.shape_cast %ge3A_20 : vector<1x64xi1> to vector<1x64xi1>
    %broadcast_in_dim3A_21 = vector.broadcast %broadcast_in_dim3A : vector<1x64xi1> to vector<800x64xi1>
    %select_n3A = arith.select %broadcast_in_dim3A_21, %get3A_13, %get3A_18 : vector<800x64xi1>, vector<800x64xf32>
    %mul3A = vector.broadcast %get3A_3 : vector<1x64xf32> to vector<800x64xf32>
    %mul3A_22 = arith.mulf %select_n3A, %mul3A : vector<800x64xf32>
    %add3A = vector.broadcast %get3A_8 : vector<1x64xf32> to vector<800x64xf32>
    %add3A_23 = arith.addf %mul3A_22, %add3A : vector<800x64xf32>
    %max3A = arith.constant 0.000000e+00 : f32
    %max3A_24 = vector.broadcast %max3A : f32 to vector<800x64xf32>
    %max3A_25 = arith.maximumf %add3A_23, %max3A_24 : vector<800x64xf32>
    %swap3A = arith.constant 0 : index
    %swap3A_26 = arith.constant 0 : index
    %swap3A_27 = arith.constant 0 : index
    %swap3A_28 = vector.load %arg5[%swap3A, %swap3A_26, %swap3A_27] : memref<800x1x64xf32, #tpu.memory_space<vmem>>, vector<800x1x64xf32>
    %swap3A_29 = vector.shape_cast %swap3A_28 : vector<800x1x64xf32> to vector<800x64xf32>
    %swap3A_30 = vector.shape_cast %max3A_25 : vector<800x64xf32> to vector<800x1x64xf32>
    tpu.vector_store %arg5[%swap3A, %swap3A_26, %swap3A_27], %swap3A_30 {strides = array<i32>} : memref<800x1x64xf32, #tpu.memory_space<vmem>>, vector<800x1x64xf32>,
    return
  }
  func.func @transform_0(%arg0: i32) -> (i32, i32, i32) {
    %c0_i32 = arith.constant 0 : i32
    %c0_i32_0 = arith.constant 0 : i32
    %c0_i32_1 = arith.constant 0 : i32
    return %arg0, %c0_i32, %c0_i32_0 : i32, i32, i32
  }
  func.func @transform_1(%arg0: i32) -> (i32, i32, i32) {
    %c0_i32 = arith.constant 0 : i32
    %c0_i32_0 = arith.constant 0 : i32
    %c0_i32_1 = arith.constant 0 : i32
    return %arg0, %c0_i32, %c0_i32_0 : i32, i32, i32
  }
  func.func @transform_2(%arg0: i32) -> (i32, i32, i32) {
    %jit3A = arith.constant 15 : i32
    %div3A = arith.divsi %arg0, %jit3A : i32
    %sign3A = arith.constant 0 : i32
    %sign3A_0 = arith.cmpi sgt, %arg0, %sign3A : i32
    %sign3A_1 = arith.extui %sign3A_0 : i1 to i32
    %sign3A_2 = arith.constant 0 : i32
    %sign3A_3 = arith.cmpi slt, %arg0, %sign3A_2 : i32
    %sign3A_4 = arith.extui %sign3A_3 : i1 to i32
    %sign3A_5 = arith.subi %sign3A_1, %sign3A_4 : i32
    %sign3A_6 = arith.constant 0 : i32
    %sign3A_7 = arith.cmpi sgt, %jit3A, %sign3A_6 : i32
    %sign3A_8 = arith.extui %sign3A_7 : i1 to i32
    %sign3A_9 = arith.constant 0 : i32
    %sign3A_10 = arith.cmpi slt, %jit3A, %sign3A_9 : i32
    %sign3A_11 = arith.extui %sign3A_10 : i1 to i32
    %sign3A_12 = arith.subi %sign3A_8, %sign3A_11 : i32
    %ne3A = arith.cmpi ne, %sign3A_5, %sign3A_12 : i32
    %rem3A = arith.remsi %arg0, %jit3A : i32
    %ne3A_13 = arith.constant 0 : i32
    %ne3A_14 = arith.cmpi ne, %rem3A, %ne3A_13 : i32
    %and3A = arith.andi %ne3A, %ne3A_14 : i1
    %sub3A = arith.constant 1 : i32
    %sub3A_15 = arith.subi %div3A, %sub3A : i32
    %select_n3A = arith.select %and3A, %sub3A_15, %div3A : i32
    %c0_i32 = arith.constant 0 : i32
    %c0_i32_16 = arith.constant 0 : i32
    %c0_i32_17 = arith.constant 0 : i32
    return %select_n3A, %c0_i32, %c0_i32_16 : i32, i32, i32
  }
  func.func @transform_3(%arg0: i32) -> (i32, i32, i32) {
    %jit3A = arith.constant 15 : i32
    %div3A = arith.divsi %arg0, %jit3A : i32
    %sign3A = arith.constant 0 : i32
    %sign3A_0 = arith.cmpi sgt, %arg0, %sign3A : i32
    %sign3A_1 = arith.extui %sign3A_0 : i1 to i32
    %sign3A_2 = arith.constant 0 : i32
    %sign3A_3 = arith.cmpi slt, %arg0, %sign3A_2 : i32
    %sign3A_4 = arith.extui %sign3A_3 : i1 to i32
    %sign3A_5 = arith.subi %sign3A_1, %sign3A_4 : i32
    %sign3A_6 = arith.constant 0 : i32
    %sign3A_7 = arith.cmpi sgt, %jit3A, %sign3A_6 : i32
    %sign3A_8 = arith.extui %sign3A_7 : i1 to i32
    %sign3A_9 = arith.constant 0 : i32
    %sign3A_10 = arith.cmpi slt, %jit3A, %sign3A_9 : i32
    %sign3A_11 = arith.extui %sign3A_10 : i1 to i32
    %sign3A_12 = arith.subi %sign3A_8, %sign3A_11 : i32
    %ne3A = arith.cmpi ne, %sign3A_5, %sign3A_12 : i32
    %rem3A = arith.remsi %arg0, %jit3A : i32
    %ne3A_13 = arith.constant 0 : i32
    %ne3A_14 = arith.cmpi ne, %rem3A, %ne3A_13 : i32
    %and3A = arith.andi %ne3A, %ne3A_14 : i1
    %sub3A = arith.constant 1 : i32
    %sub3A_15 = arith.subi %div3A, %sub3A : i32
    %select_n3A = arith.select %and3A, %sub3A_15, %div3A : i32
    %c0_i32 = arith.constant 0 : i32
    %c0_i32_16 = arith.constant 0 : i32
    %c0_i32_17 = arith.constant 0 : i32
    return %select_n3A, %c0_i32, %c0_i32_16 : i32, i32, i32
  }
  func.func @transform_4(%arg0: i32) -> (i32, i32, i32) {
    %c0_i32 = arith.constant 0 : i32
    %c0_i32_0 = arith.constant 0 : i32
    %c0_i32_1 = arith.constant 0 : i32
    return %arg0, %c0_i32, %c0_i32_0 : i32, i32, i32
  }
}

module attributes {stable_mosaic.version = 14 : i64} {
  func.func @_scatter_kernel(%arg0: i32, %arg1: memref<24000xi32, #tpu.memory_space<smem>>, %arg2: memref<24000xi32, #tpu.memory_space<smem>>, %arg3: memref<1x1x64xf32, #tpu.memory_space<vmem>>, %arg4: memref<2x214272x1x64xf32, #tpu.memory_space<any>>, %arg5: memref<1x1x1x64xf32, #tpu.memory_space<vmem>>) attributes {dimension_semantics = [#tpu.dimension_semantics<arbitrary>], iteration_bounds = array<i64: 24000>, scalar_prefetch = 2 : i64, scratch_operands = 0 : i64, tpu.core_type = #tpu.core_type<tc>, window_params = [{transform_indices = @transform_0, window_bounds = array<i64: 1, 1, 64>}, {}, {transform_indices = @transform_2, window_bounds = array<i64: 1, 1, 1, 64>}]} {
    %get3A = arith.constant 0 : index
    %get3A_0 = arith.constant 0 : index
    %get3A_1 = arith.constant 0 : index
    %get3A_2 = vector.load %arg3[%get3A, %get3A_0, %get3A_1] : memref<1x1x64xf32, #tpu.memory_space<vmem>>, vector<1x1x64xf32>
    %get3A_3 = vector.shape_cast %get3A_2 : vector<1x1x64xf32> to vector<64xf32>
    %swap3A = arith.constant 0 : index
    %swap3A_4 = arith.constant 0 : index
    %swap3A_5 = arith.constant 0 : index
    %swap3A_6 = arith.constant 0 : index
    %swap3A_7 = vector.load %arg5[%swap3A, %swap3A_4, %swap3A_5, %swap3A_6] : memref<1x1x1x64xf32, #tpu.memory_space<vmem>>, vector<1x1x1x64xf32>
    %swap3A_8 = vector.shape_cast %swap3A_7 : vector<1x1x1x64xf32> to vector<64xf32>
    %swap3A_9 = vector.shape_cast %get3A_3 : vector<64xf32> to vector<1x1x1x64xf32>
    tpu.vector_store %arg5[%swap3A, %swap3A_4, %swap3A_5, %swap3A_6], %swap3A_9 {strides = array<i32>} : memref<1x1x1x64xf32, #tpu.memory_space<vmem>>, vector<1x1x1x64xf32>,
    return
  }
  func.func @transform_0(%arg0: i32, %arg1: memref<24000xi32, #tpu.memory_space<smem>>, %arg2: memref<24000xi32, #tpu.memory_space<smem>>) -> (i32, i32, i32) {
    %c0_i32 = arith.constant 0 : i32
    %c0_i32_0 = arith.constant 0 : i32
    %c0_i32_1 = arith.constant 0 : i32
    return %arg0, %c0_i32, %c0_i32_0 : i32, i32, i32
  }
  func.func @transform_2(%arg0: i32, %arg1: memref<24000xi32, #tpu.memory_space<smem>>, %arg2: memref<24000xi32, #tpu.memory_space<smem>>) -> (i32, i32, i32, i32) {
    %jit3A = arith.constant 12000 : i32
    %div3A = arith.divsi %arg0, %jit3A : i32
    %sign3A = arith.constant 0 : i32
    %sign3A_0 = arith.cmpi sgt, %arg0, %sign3A : i32
    %sign3A_1 = arith.extui %sign3A_0 : i1 to i32
    %sign3A_2 = arith.constant 0 : i32
    %sign3A_3 = arith.cmpi slt, %arg0, %sign3A_2 : i32
    %sign3A_4 = arith.extui %sign3A_3 : i1 to i32
    %sign3A_5 = arith.subi %sign3A_1, %sign3A_4 : i32
    %sign3A_6 = arith.constant 0 : i32
    %sign3A_7 = arith.cmpi sgt, %jit3A, %sign3A_6 : i32
    %sign3A_8 = arith.extui %sign3A_7 : i1 to i32
    %sign3A_9 = arith.constant 0 : i32
    %sign3A_10 = arith.cmpi slt, %jit3A, %sign3A_9 : i32
    %sign3A_11 = arith.extui %sign3A_10 : i1 to i32
    %sign3A_12 = arith.subi %sign3A_8, %sign3A_11 : i32
    %ne3A = arith.cmpi ne, %sign3A_5, %sign3A_12 : i32
    %rem3A = arith.remsi %arg0, %jit3A : i32
    %ne3A_13 = arith.constant 0 : i32
    %ne3A_14 = arith.cmpi ne, %rem3A, %ne3A_13 : i32
    %and3A = arith.andi %ne3A, %ne3A_14 : i1
    %sub3A = arith.constant 1 : i32
    %sub3A_15 = arith.subi %div3A, %sub3A : i32
    %select_n3A = arith.select %and3A, %sub3A_15, %div3A : i32
    %get3A = arith.index_cast %arg0 : i32 to index
    %get3A_16 = memref.load %arg1[%get3A] : memref<24000xi32, #tpu.memory_space<smem>>
    %mul3A = arith.constant 432 : i32
    %mul3A_17 = arith.muli %get3A_16, %mul3A : i32
    %get3A_18 = arith.index_cast %arg0 : i32 to index
    %get3A_19 = memref.load %arg2[%get3A_18] : memref<24000xi32, #tpu.memory_space<smem>>
    %add3A = arith.addi %mul3A_17, %get3A_19 : i32
    %c0_i32 = arith.constant 0 : i32
    %c0_i32_20 = arith.constant 0 : i32
    %c0_i32_21 = arith.constant 0 : i32
    return %select_n3A, %add3A, %c0_i32, %c0_i32_20 : i32, i32, i32, i32
  }
}

</mosaic_0001>

<sc_bundles>
// kernel: sparse-core-data-format-call.cloned.1.call-start
scs
called_computation_lowered:
.L_overlay_start_0:
0x0: {  	s2 =	sld [smem:$0x3FD9]  }
0x1: {  	s3 =	sld [smem:$0x3FFE];
	_ =	sdelay $0x1  }
0x2: {  	s1 =	srdreg.scid  }
0x3: {  	s0 =	sand.u32 $0x1, s1  }
0x4: {  	s18 =	sshll.u32 s0, $0xA;
	s2 =	sadd.s32 s3, s2  }
0x5: {  	s2 =	sadd.s32 s2, s18  }
0x6: {  	[smem:$0x3FC3] =	sst s2  }
0x7: {  	_ = 	snop  }
0x8: {  	s2 =	sld [smem:$0x3FD0];
	(tm) =	ssettm $0x1  }
0x9: {  	s19 =	sld [smem:$0x3FFB];
	_ =	sdelay $0x3  }
0xa: {  	_ =	strace s19  }
0xb: {  	s3 =	sld [smem:$0x3FFC];
	_ =	sdelay $0x3  }
0xc: {  	_ =	strace s3  }
0xd: {  	s3 =	sld [smem:$0x3FFD];
	_ =	sdelay $0x3  }
0xe: {  	_ =	strace s3  }
0xf: {  	_ =	strace $0x8FFFFFFF  }
0x10: {  	s20 =	sld [smem:$0x3FDB];
	_ =	sdelay $0x1  }
0x11: {  	s4 =	simm.s32 $_scs_section_size  }
0x12: {  	s5 =	simm.s32 $_size__tile_overlayer_lowered;
	s6 =	simm.s32 $_tile_overlayer_lowered  }
0x13: {  	s23 =	simm.s32 $0x1BFF;
	s22 =	sshll.u32 s6, $0x1;
	s3 =	sadd.s32 s4, s20  }
0x14: {  	s7 =	simm.s32 $0x0;
	s21 =	sshll.u32 s5, $0x1;
	s5 =	sadd.s32 s22, s3  }
0x15: {  	[timem:s7], [sflag:s23] =	dma.local [hbm:s5], s21  }
0x16: {  	_ =	swait.ge [sflag:s23], s21  }
0x17: {  	s4 =	ssub.s32 $0x0, s21;
	[sflag:s23] =	ssyncset.done $0x0  }
0x18: {  	[sflag:s23] =	ssyncadd.s32 s4;
	_ =	sdelay $0x1  }
0x19: {  	s24 =	simm.s32 $0x1B8B  }
0x1a: {  	_ =	swait.ge [sflag:s24], $0x1  }
0x1b: {  	[sflag:s24] =	ssyncset.done $0x0  }
0x1c: {  	s26 =	simm.s32 $0x1B8E;
	s25 =	sld [smem:$0x3FFE];
	[sflag:s24] =	ssyncadd.s32 $0xFFFFFFFF  }
0x1d: {  	s27 =	simm.s32 $execute0_lowered;
	[smem:$0x3FD2] =	sst s26  }
0x1e: {  	s5 =	sshll.u32 s27, $0x1;
	_ =	strace $0x80000046;
	[dreg:$0x1] =	wrdreg $0xFFFFFFFF  }
0x1f: {  	s28 =	simm.s32 $_size_execute0_lowered;
	s3 =	sadd.s32 s3, s5;
	[dreg:$0x0] =	wrdreg $0x0  }
0x20: {  	s5 =	sshll.u32 s28, $0x1;
	[dreg:$0x2] =	wrdreg s3  }
0x21: {  	[dreg:$0x3] =	wrdreg s5  }
0x22: {  	[dreg:$0x4] =	wrdreg $0xC0  }
0x23: {  	_ =	task [dreg:s7], $0x5FFFF  }
0x24: {  	[dreg:$0x1] =	wrdreg $0xFFFFFFFF  }
0x25: {  	[dreg:$0x0] =	wrdreg $0x60  }
0x26: {  	[dreg:$0x2] =	wrdreg s25  }
0x27: {  	[dreg:$0x3] =	wrdreg s2  }
0x28: {  	[dreg:$0x4] =	wrdreg $0x9  }
0x29: {  	_ =	task.clear_ibuf [dreg:s7], $0x5FFFF;
	_ =	strace $0x90000046  }
0x2a: {  	s29 =	simm.s32 $0x9;
	_ =	strace $0x80000048  }
0x2b: {  	_ =	swait.ge [sflag:s29], $0x1  }
0x2c: {  	[sflag:s29] =	ssyncadd.s32 $0xFFFFFFFF  }
0x2d: {  	_ =	strace $0x90000048  }
0x2e: {  	_ =	sfence  }
0x2f: {  	s30 =	sld [smem:$0x0];
	_ =	sdelay $0x2  }
0x30: {  	s31 =	sshll.u32 s1, $0xD;
	s1 =	sshrl.u32 s1, $0x2  }
0x31: {  	s3 =	sand.u32 $0x4000, s31;
	s1 =	sadd.s32 s1, s30  }
0x32: {  	s0 =	sor.u32 s3, s0;
	s1 =	sshll.u32 s1, $0x11  }
0x33: {  	s0 =	sor.u32 s1, s0  }
0x34: {  	s0 =	sadd.s32 $0x8F2B, s0  }
0x35: {  	[sflag:s0] =	ssyncadd.remote.s32 $0x1  }
0x36: {  	_ =	sfence.sel $0xFFFF  }
0x37: {  	[dreg:$0x0] =	wrdreg $0xFFFFFFFF;
	(pc) =	sbr.abs _section_cstart, $3  }
0x38: {  	[dreg:$0x1] =	wrdreg $0xFFFFFFFF  }
0x39: {  	_ =	task.clear_ibuf [dreg:s7], $0x2FFFF;
	_ =	strace $0x9FFFFFFF  }
0x3a: {  	(tm) =	ssettm $0x7FFFFFFF  }
0x3b: {  	_ =	shalt  }
tec
execute0_lowered:
.L_overlay_start_1:
0x0: {  	(tag) =	ssettag $0x1  }
0x1: {  	s4 =	rddreg [dreg:$0x0]  }
0x2: {  	s2 =	rddreg [dreg:$0x1]  }
0x3: {  	s1 =	stileid.u32;
	s0 =	rddreg [dreg:$0x2]  }
0x4: {  	s5 =	srdreg.scid;
	_ =	strace $0x80000047;
	s9 =	simm.s32 $0x2  }
0x5: {  	s17 =	simm.s32 $0x0;
	p0 =	por $0x0, $0x0;
	s10 =	simm.s32 $0x36000  }
0x6: {  	s15 =	simm.s32 $0x0;
	s16 =	simm.s32 $0x0;
	s14 =	simm.s32 $0x0  }
0x7: {  	s3 =	sand.u32 $0x1, s1;
	s5 =	sshll.u32 s5, $0x4;
	s4 =	sadd.s32 $0x2000, s4  }
0x8: {  	s8 =	sshll.u32 s1, $0x6;
	s6 =	ssub.s32 $0x2, s3;
	s5 =	sand.u32 $0x10, s5  }
.Ltmp0:
0x9: {  	s7 =	sshrl.u32 s6, $0x1;
	s6 =	sand.u32 $0x1, s6;
	(pc) =	sbr.rel .LBB1_1-.Ltmp0, $4  }
0xa: {  	s8 =	sand.u32 $0x180, s8;
	s13 =	smov.u32 s3;
	s7 =	sadd.s32 s6, s7  }
0xb: {  	s5 =	sor.u32 s1, s5;
	s6 =	simm.s32 $0x1;
	s7 =	smul.u32 $0x6C, s7  }
0xc: {  	s12 =	smov.u32 s8;
	s5 =	sshrl.u32 s5, $0x3;
	[sflag:s6] =	ssyncpa.u1 $0x0  }
0xd: {  	s11 =	smov.u32 s5;
	[sflag:s9] =	ssyncpa.u1 $0x0;
	s9 =	sor.u32 $0x1, s7  }
.LBB1_4:
0xe: {  	s20 =	sshll.u32 s17, $0x9;
	s21 =	sshll.u32 s15, $0x3  }
0xf: {  	s28 =	sshll.u32 s17, $0x7;
	s20 =	sand.u32 $0xFFFFF000, s20;
	s21 =	sand.u32 $0xFFFFFC00, s21  }
0x10: {  	s29 =	sand.u32 $0x200, s28;
	s20 =	sadd.s32 s21, s20  }
0x11: {  	s20 =	sor.u32 s29, s20  }
0x12: {  	s20 =	sshrl.u32 s20, $0x9  }
0x13: {  	s30 =	smulhi.u32 $0x97B426, s20  }
0x14: {  	s16 =	smul.u32 $0x1B0000, s16  }
0x15: {  	s22 =	sand.u32 $0x78, s15;
	s17 =	sand.u32 $0x180, s28;
	s21 =	smul.u32 $0x1B0, s30  }
0x16: {  	s31 =	sand.u32 $0x7, s15;
	s17 =	sor.u32 s22, s17  }
0x17: {  	[tilespmem:s19+$0x810 ss:$0x81] =	vst.msk $0xffff, v2;
	s16 =	sadd.s32 s2, s16;
	s17 =	sshrl.u32 s17, $0x3;
	s20 =	ssub.s32 s20, s21  }
0x18: {  	[tilespmem:s19+$0x1020 ss:$0x81] =	vst.msk $0xffff, v0;
	s15 =	sshll.u32 s31, $0x12;
	s16 =	sadd.s32 s17, s16;
	s20 =	sshll.u32 s20, $0x6  }
0x19: {  	[tilespmem:s19+$0x0 ss:$0x81] =	vst.msk $0xffff, v1;
	s15 =	sor.u32 $0x80, s15;
	s16 =	sadd.s32 s20, s16  }
0x1a: {  	[hbm4b:s16+s15] =	stream.strided.scatter [tilespmem:s18], [sflag:$0x2], $0x2000, s10, s15, $0x20;
	[tilespmem:$0x8080] =	vst v63  }
.LBB1_5:
0x1b: {  	s18 =	sadd.s32 $0x4, s11  }
0x1c: {  	s15 =	sadd.s32 $0x200, s12;
	s19 =	smov.u32 s12;
	p2 =	sgt.s32 s18, $0x1AF  }
0x1d: {  	s19 =	smov.u32 @p2 s15  }
0x1e: {  	s21 =	smov.u32 s13;
	s15 =	sadd.s32 $0x2, s13;
	p3 =	sgt.s32 s19, $0x1EF  }
0x1f: {  	s21 =	smov.u32 @p3 s15  }
0x20: {  	s18 =	smov.u32 @p2 s5;
	p2 =	sgt.s32 s21, $0x1  }
0x21: {  	p1 =	slt.u32 s14, $0x2;
	s21 =	smov.u32 @p2 s3;
	p2 =	sne.s32 s14, s9  }
.Ltmp1:
0x22: {  	s20 =	simm.s32 @!p1 $0x2;
	(pc) =	sbr.rel @!p2 .LBB1_6-.Ltmp1, $4  }
0x23: {  	s17 =	smov.u32 s11;
	s16 =	smov.u32 s13;
	_ =	swait.ge @!p1 [sflag:s20], $0x2000  }
0x24: {  	p0 =	por !p0, !p0;
	[sflag:s20] =	ssyncset.done @!p1 $0x0;
	s11 =	smov.u32 s18  }
0x25: {  	s19 =	smov.u32 @p3 s8;
	s15 =	smov.u32 s12;
	[sflag:s20] =	ssyncadd.s32 @!p1 $0xFFFFE000  }
0x26: {  	s12 =	smov.u32 s19;
	s14 =	sadd.s32 $0x1, s14;
	s13 =	smov.u32 s21  }
.LBB1_1:
0x27: {  	p1 =	sge.u32 s14, s7;
	s19 =	smov.u32 s13;
	s22 =	smov.u32 s12  }
0x28: {  	p2 =	sgt.s32 @!p1 s13, $0x1;
	s18 =	sand.u32 @!p1 $0x1FFFFFF, s11;
	s21 =	sshra.s32 @!p1 s13, $0x1F  }
0x29: {  	s23 =	sshra.s32 @!p1 s12, $0x1F;
	p2 =	por !p2, p1;
	s20 =	smulhi.u32 @!p1 $0x97B426, s18  }
0x2a: {  	s21 =	sand.u32 @!p1 s21, s13;
	s19 =	simm.s32 @p2 $0x1;
	p2 =	sgt.s32 @!p1 s12, $0x170  }
0x2b: {  	s23 =	sand.u32 @!p1 s23, s12;
	s21 =	sxor.u32 @!p1 $0xFFFFFFFF, s21;
	p2 =	por !p2, p1  }
0x2c: {  	s19 =	sadd.s32 @!p1 s21, s19;
	s22 =	simm.s32 @p2 $0x170;
	p2 =	sgt.s32 @!p1 s11, $0x1AF  }
0x2d: {  	s22 =	ssub.s32 @!p1 s22, s23;
	p2 =	por !p2, p1;
	s23 =	smov.u32 s11  }
0x2e: {  	s20 =	smul.u32 @!p1 $0x1B0, s20;
	s21 =	sadd.s32 @!p1 $0xFFFFFE90, s22;
	s23 =	simm.s32 @p2 $0x1AF  }
0x2f: {  	p2 =	sgt.s32 @!p1 s19, $0x0;
	s22 =	ssub.s32 @!p1 $0x1F0, s22;
	s19 =	sshll.u32 @!p1 s19, $0x6  }
0x30: {  	p3 =	sgt.s32 @!p1 s21, $0x7F;
	s21 =	sshra.s32 @!p1 s11, $0x1F;
	s19 =	ssub.s32 @!p1 $0x40, s19  }
0x31: {  	p2 =	por !p2, p1;
	s21 =	sand.u32 @!p1 s21, s11;
	p3 =	por !p3, p1  }
0x32: {  	s19 =	simm.s32 @!p2 $0x0;
	s21 =	ssub.s32 @!p1 s23, s21;
	s22 =	simm.s32 @!p3 $0x0  }
0x33: {  	s31 =	sadd.s32 $0xFFFFFFFF, s14;
	s23 =	sadd.s32 @!p1 $0xFFFFFE51, s21;
	s19 =	smul.u32 @!p1 s22, s19  }
0x34: {  	s18 =	ssub.s32 @!p1 s18, s20;
	s22 =	smul.u32 @!p1 $0x345000, s13;
	p3 =	sgt.s32 @!p1 s23, $0x0  }
0x35: {  	s21 =	ssub.s32 @!p1 $0x1B0, s21;
	s23 =	smul.u32 @!p1 $0x1B00, s12;
	p2 =	por !p3, p1  }
0x36: {  	s18 =	sshll.u32 @!p1 s18, $0x4;
	s20 =	sadd.s32 @!p1 s4, s22;
	s21 =	simm.s32 @!p2 $0x0  }
0x37: {  	s20 =	sadd.s32 @!p1 s23, s20;
	s19 =	smul.u32 @!p1 s21, s19;
	s21 =	sxor.u32 @!p1 $0xFFFFFFFF, s14  }
0x38: {  	s22 =	simm.s32 @!p1 $0xD800;
	s18 =	sadd.s32 @!p1 s18, s20;
	s21 =	sshll.u32 @!p1 s21, $0xD  }
0x39: {  	s20 =	simm.s32 @!p1 $0x40;
	s21 =	sand.u32 @!p1 $0x2000, s21;
	s19 =	sand.u32 @!p1 $0x3FFFFFC0, s19  }
0x3a: {  	[tilespmem:s21], [sflag:$0x1] =	stream.strided.gather @!p1 [hbm4b:s18+s20], s19, s22, s20, $0x38;
	[tilespmem:$0x8080] =	vst v63  }
0x3b: {  	p1 =	sge.u32 s31, s7  }
.Ltmp2:
0x3c: {  	_ = 	snop;
	(pc) =	sbr.rel @p1 .LBB1_5-.Ltmp2, $1  }
0x3d: {  	_ =	sdelay $0x3  }
0x3e: {  	p1 =	sgt.s32 s16, $0x1  }
0x3f: {  	s18 =	smov.u32 s16;
	s19 =	sshra.s32 s16, $0x1F;
	s20 =	smov.u32 s15  }
0x40: {  	s21 =	sshra.s32 s15, $0x1F;
	p2 =	sgt.s32 s17, $0x1AF;
	s22 =	sshra.s32 s17, $0x1F  }
0x41: {  	s18 =	simm.s32 @!p1 $0x1;
	s19 =	sand.u32 s19, s16;
	p1 =	sgt.s32 s15, $0x170  }
0x42: {  	s24 =	sand.u32 s21, s15;
	s19 =	sxor.u32 $0xFFFFFFFF, s19;
	s20 =	simm.s32 @!p1 $0x170  }
0x43: {  	s26 =	sand.u32 s22, s17;
	s18 =	sadd.s32 s19, s18;
	s19 =	ssub.s32 s20, s24  }
0x44: {  	s20 =	smov.u32 s17;
	p1 =	sgt.s32 s18, $0x0;
	s25 =	sadd.s32 $0xFFFFFE90, s19  }
0x45: {  	s20 =	simm.s32 @!p2 $0x1AF;
	s18 =	sshll.u32 s18, $0x6;
	s19 =	ssub.s32 $0x1F0, s19  }
0x46: {  	p2 =	sgt.s32 s25, $0x7F;
	s20 =	ssub.s32 s20, s26;
	s18 =	ssub.s32 $0x40, s18  }
0x47: {  	s19 =	simm.s32 @p2 $0x0;
	s21 =	sadd.s32 $0xFFFFFE51, s20;
	s18 =	simm.s32 @p1 $0x0  }
0x48: {  	s20 =	ssub.s32 $0x1B0, s20;
	p1 =	sgt.s32 s21, $0x0;
	s18 =	smul.u32 s19, s18  }
0x49: {  	s20 =	simm.s32 @p1 $0x0  }
0x4a: {  	s18 =	smul.u32 s20, s18;
	_ =	sdelay $0x1  }
0x4b: {  	s19 =	simm.s32 $0x1;
	s18 =	sand.u32 $0x3FFFFFC0, s18  }
0x4c: {  	s19 =	simm.s32 @!p0 $0x0;
	_ =	swait.ge [sflag:s6], s18  }
0x4d: {  	s27 =	sshll.u32 s19, $0xD;
	s18 =	ssub.s32 $0x0, s18;
	[sflag:s6] =	ssyncset.done $0x0  }
0x4e: {  	s28 =	sor.u32 $0x20, s27;
	[sflag:s6] =	ssyncadd.s32 s18  }
0x4f: {  	s29 =	smul.u32 $0x8100, s19;
	v3 =	vld [tilespmem:s28+$0x10]  }
0x50: {  	s30 =	sand.u32 $0x1, s14;
	v2 =	vld [tilespmem:s28+$0xFFFFFFF0]  }
0x51: {  	s19 =	smul.u32 $0x8100, s30;
	s18 =	sshrl.u32 s29, $0x2;
	v0 =	vld [tilespmem:s28+$0x0]  }
0x52: {  	s20 =	sor.u32 $0x4000, s18;
	v1 =	vld [tilespmem:s28+$0xFFFFFFE0]  }
0x53: {  	s31 =	sshrl.u32 s19, $0x2;
	s19 =	sadd.s32 $0x0, s20  }
0x54: {  	s21 =	simm.s32 $0x4;
	s22 =	sadd.s32 $0x40, s28;
	s18 =	sor.u32 $0x4000, s31;
	[tilespmem:s19+$0x1830 ss:$0x81] =	vst.msk $0xffff, v3  }
.LBB1_3:
0x55: {  	v3 =	vld [tilespmem:s22+$0x10];
	p1 =	sne.s32 s21, $0x1FC;
	[tilespmem:s19+$0x810 ss:$0x81] =	vst.msk $0xffff, v2;
	s23 =	smov.u32 s21;
	s21 =	sadd.s32 $0x4, s21  }
.Ltmp3:
0x56: {  	v2 =	vld [tilespmem:s22+$0xFFFFFFF0];
	[tilespmem:s19+$0x1020 ss:$0x81] =	vst.msk $0xffff, v0;
	(pc) =	sbr.rel @p1 .LBB1_3-.Ltmp3, $4  }
0x57: {  	v0 =	vld [tilespmem:s22+$0x0];
	[tilespmem:s19+$0x0 ss:$0x81] =	vst.msk $0xffff, v1  }
0x58: {  	s19 =	sshra.s32 s23, $0x2;
	v1 =	vld [tilespmem:s22+$0xFFFFFFE0]  }
0x59: {  	s19 =	sadd.s32 s19, s20  }
0x5a: {  	s22 =	sadd.s32 $0x40, s22;
	[tilespmem:s19+$0x1830 ss:$0x81] =	vst.msk $0xffff, v3  }
.Ltmp4:
0x5b: {  	_ = 	snop;
	(pc) =	sbr.rel .LBB1_4-.Ltmp4, $1  }
0x5c: {  	_ =	sdelay $0x3  }
.LBB1_6:
0x5d: {  	_ =	sfence.sel $0x180000  }
0x5e: {  	s2 =	simm.s32 $0x1;
	[bflag:$0x0] =	sbarrier.arrive $0xFFFF  }
0x5f: {  	s31 =	simm.s32 $0x2;
	[sflag:s2] =	ssyncpa.u1 $0x1  }
0x60: {  	[sflag:s31] =	ssyncpa.u1 $0x1  }
0x61: {  	p0 =	sne.s32 s1, $0x0;
	_ =	strace $0x90000047  }
0x62: {  	s0 =	sadd.s32 @!p0 $0x100000, s0;
	[bflag:$0x2] =	sbarrier.arrive $0xFFFF  }
0x63: {  	[sflag:s0] =	ssyncadd.tile.s32 @!p0 $0x1;
	_ =	shalt  }
.Lfunc_end1:
_tile_overlayer_lowered:
.L_overlay_start_2:
0x64: {  	(tag) =	ssettag $0x2  }
0x65: {  	s0 =	rddreg [dreg:$0x0];
	s2 =	stileid.u32  }
0x66: {  	s1 =	rddreg [dreg:$0x1];
	p0 =	sne.s32 s2, $0x0  }
0x67: {  	s3 =	rddreg [dreg:$0x2];
	[bflag:$0x3] =	sbarrier.arrive $0xFFFF;
	s2 =	simm.s32 @!p0 $0x1C01  }
0x68: {  	[timem:s3], [sflag:s2] =	dma.local @!p0 [hbm:s0], s1  }
0x69: {  	s0 =	simm.s32 @!p0 $0x1  }
0x6a: {  	_ =	swait.ge @!p0 [sflag:s0], s1  }
0x6b: {  	s1 =	ssub.s32 @!p0 $0x0, s1;
	[sflag:s0] =	ssyncset.done @!p0 $0x0  }
0x6c: {  	[sflag:s0] =	ssyncadd.s32 @!p0 s1  }
0x6d: {  	[bflag:$0x3] =	sbarrier.arrive $0xFFFF  }
0x6e: {  	_ =	shalt  }

</sc_bundles>
